<compile_context>
chip_gen: v7x
topology: tpu7x:2x2x1
jax: 0.10.2.dev20260603
libtpu: 0.0.44.dev20260713+nightly
codegen_flags: <defaults>
</compile_context>

<pallas_src>
import functools

import jax
import jax.numpy as jnp
from jax import lax
from jax.experimental import pallas as pl
from jax.experimental.pallas import tpu as pltpu
from jax.experimental.pallas import tpu_sc as plsc

B, N, D_s, D_id, H, Dq, N_in, V = 128, 1024, 256, 64, 4, 64, 256, 32768

NB = 128
VB = 4096

SC_NC, SC_NS = 2, 16
SC_NW = 16
SC_BPW = B // SC_NW


def _gather_sc_body(table_ref, idx_ref, out_ref, idx_v, rows_v, sem):
    wid = lax.axis_index("s") * SC_NC + lax.axis_index("c")

    @pl.when(wid < SC_NW)
    def _():
        base = wid * SC_BPW
        pltpu.sync_copy(idx_ref.at[pl.ds(base, SC_BPW)], idx_v)
        pltpu.async_copy(table_ref.at[idx_v], rows_v, sem).wait()
        pltpu.sync_copy(rows_v, out_ref.at[pl.ds(base, SC_BPW)])


def _gather_h(token_id, tok_emb):
    return pl.kernel(
        _gather_sc_body,
        out_type=jax.ShapeDtypeStruct((B, D_s), jnp.float32),
        mesh=plsc.VectorSubcoreMesh(core_axis_name="c", subcore_axis_name="s"),
        scratch_types=[
            pltpu.VMEM((SC_BPW,), jnp.int32),
            pltpu.VMEM((SC_BPW, D_s), jnp.float32),
            pltpu.SemaphoreType.DMA,
        ],
    )(tok_emb, token_id)


def _prep_body(tok_ref, emb_ref, wqt_ref, colid_ref, wkin_ref, wvin_ref,
               wdec_ref, bdec_ref, ebias_ref, wkout_ref, mq_ref, pos_ref,
               alpha_ref, count_ref, v_ref, vdot_ref, mk_ref,
               h_sc, sems):
    for b in range(B):
        pltpu.make_async_copy(
            emb_ref.at[pl.ds(tok_ref[b], 1), :],
            h_sc.at[pl.ds(b, 1), :], sems.at[b % 4]).start()

    col_iota = jax.lax.broadcasted_iota(jnp.int32, (N_in, N), 1)
    P = (col_iota == pos_ref[...]).astype(jnp.float32)
    in_ids = jax.lax.dot_general(P, colid_ref[...],
                                 (((1,), (0,)), ((), ())))
    keys = jax.lax.dot_general(in_ids, wkin_ref[...],
                               (((1,), (0,)), ((), ())))
    a = jax.lax.dot_general(colid_ref[...], wdec_ref[...],
                            (((1,), (0,)), ((), ())))
    alpha_ref[...] = jax.nn.sigmoid(a + bdec_ref[0, 0])
    mk = jax.lax.dot_general(mq_ref[...], wkout_ref[...],
                             (((1,), (1,)), ((), ())))
    mk_ref[...] = mk

    for b in range(B):
        pltpu.make_async_copy(
            emb_ref.at[pl.ds(tok_ref[b], 1), :],
            h_sc.at[pl.ds(b, 1), :], sems.at[b % 4]).wait()
    h = h_sc[...]
    j_iota = jax.lax.broadcasted_iota(jnp.int32, (B, N_in), 1)
    counts_in = jnp.zeros((B, N_in), jnp.float32)
    for hd in range(H):
        wqt_h = wqt_ref[hd * Dq:(hd + 1) * Dq, :]
        a_h = jax.lax.dot_general(wqt_h, keys,
                                  (((0,), (1,)), ((), ())))
        sc_h = jax.lax.dot_general(h, a_h, (((1,), (0,)), ((), ())))
        sc_h = sc_h * (1.0 / 8.0) + ebias_ref[hd:hd + 1, :]
        mx = jnp.max(sc_h, axis=1, keepdims=True)
        idx = jnp.min(jnp.where(sc_h == mx, j_iota, N_in),
                      axis=1, keepdims=True)
        counts_in = counts_in + (j_iota == idx).astype(jnp.float32)
    count_ref[...] = jax.lax.dot_general(counts_in, P,
                                         (((1,), (0,)), ((), ())))
    v = jax.lax.dot_general(h, wvin_ref[...], (((1,), (0,)), ((), ())))
    v_ref[...] = v
    vdot_ref[...] = jax.lax.dot_general(v, mk, (((1,), (1,)), ((), ())))


def _prep(token_id, tok_emb, WqT, col_id, Wk_in, Wv_in, w_decay, b_decay,
          input_E_bias, Wk_out, motor_query, input_positions):
    out_shapes = (
        jax.ShapeDtypeStruct((N, 1), jnp.float32),
        jax.ShapeDtypeStruct((B, N), jnp.float32),
        jax.ShapeDtypeStruct((B, D_s), jnp.float32),
        jax.ShapeDtypeStruct((B, 1), jnp.float32),
        jax.ShapeDtypeStruct((1, D_s), jnp.float32),
    )
    return pl.pallas_call(
        _prep_body,
        grid_spec=pltpu.PrefetchScalarGridSpec(
            num_scalar_prefetch=1,
            grid=(1,),
            in_specs=[
                pl.BlockSpec(memory_space=pltpu.MemorySpace.HBM),
                pl.BlockSpec((H * Dq, D_s), lambda i, tok: (0, 0)),
                pl.BlockSpec((N, D_id), lambda i, tok: (0, 0)),
                pl.BlockSpec((D_id, Dq), lambda i, tok: (0, 0)),
                pl.BlockSpec((D_s, D_s), lambda i, tok: (0, 0)),
                pl.BlockSpec((D_id, 1), lambda i, tok: (0, 0)),
                pl.BlockSpec((1, 1), lambda i, tok: (0, 0)),
                pl.BlockSpec((H, N_in), lambda i, tok: (0, 0)),
                pl.BlockSpec((D_s, D_s), lambda i, tok: (0, 0)),
                pl.BlockSpec((1, D_s), lambda i, tok: (0, 0)),
                pl.BlockSpec((N_in, 1), lambda i, tok: (0, 0)),
            ],
            out_specs=[
                pl.BlockSpec((N, 1), lambda i, tok: (0, 0)),
                pl.BlockSpec((B, N), lambda i, tok: (0, 0)),
                pl.BlockSpec((B, D_s), lambda i, tok: (0, 0)),
                pl.BlockSpec((B, 1), lambda i, tok: (0, 0)),
                pl.BlockSpec((1, D_s), lambda i, tok: (0, 0)),
            ],
            scratch_shapes=[
                pltpu.VMEM((B, D_s), jnp.float32),
                pltpu.SemaphoreType.DMA((4,)),
            ],
        ),
        out_shape=out_shapes,
    )(token_id, tok_emb, WqT, col_id, Wk_in, Wv_in, w_decay,
      b_decay.reshape(1, 1), input_E_bias, Wk_out,
      motor_query.reshape(1, D_s), input_positions.reshape(N_in, 1))


def _stream_body(s_ref, alpha_ref, count_ref, v_ref, vdot_ref, mk_ref,
                 wtd_ref, m_sc, z_sc, cv_sc, acc_sc):
    i = pl.program_id(0)

    @pl.when(i == 0)
    def _init():
        m_sc[...] = jnp.full((B, 1), -1e30, jnp.float32)
        z_sc[...] = jnp.zeros((B, 1), jnp.float32)
        cv_sc[...] = jnp.zeros((B, 1), jnp.float32)
        acc_sc[...] = jnp.zeros((B, D_s), jnp.float32)

    s_blk = s_ref[...]
    sdot = jax.lax.dot_general(
        s_blk.reshape(B * NB, D_s), mk_ref[...],
        (((1,), (1,)), ((), ()))).reshape(B, NB, 1)[:, :, 0]
    alpha = alpha_ref[...]
    cnt = count_ref[...]
    logit = (alpha * sdot + cnt * vdot_ref[...]) * (1.0 / 16.0)
    m_old = m_sc[...]
    m_new = jnp.maximum(m_old, jnp.max(logit, axis=1, keepdims=True))
    corr = jnp.exp(m_old - m_new)
    p = jnp.exp(logit - m_new)
    m_sc[...] = m_new
    z_sc[...] = z_sc[...] * corr + jnp.sum(p, axis=1, keepdims=True)
    cv_sc[...] = cv_sc[...] * corr + jnp.sum(p * cnt, axis=1, keepdims=True)
    pa = p * alpha
    contrib = jax.lax.dot_general(pa, s_blk,
                                  (((1,), (1,)), ((0,), (0,))))
    acc_sc[...] = acc_sc[...] * corr + contrib

    @pl.when(i == (N // NB) - 1)
    def _fin():
        wtd_ref[...] = (acc_sc[...] + cv_sc[...] * v_ref[...]) / z_sc[...]


def _stream(s, alpha2, count, v, vdot, mk):
    return pl.pallas_call(
        _stream_body,
        grid=(N // NB,),
        in_specs=[
            pl.BlockSpec((B, NB, D_s), lambda i: (0, i, 0)),
            pl.BlockSpec((1, NB), lambda i: (0, i)),
            pl.BlockSpec((B, NB), lambda i: (0, i)),
            pl.BlockSpec((B, D_s), lambda i: (0, 0)),
            pl.BlockSpec((B, 1), lambda i: (0, 0)),
            pl.BlockSpec((1, D_s), lambda i: (0, 0)),
        ],
        out_specs=pl.BlockSpec((B, D_s), lambda i: (0, 0)),
        out_shape=jax.ShapeDtypeStruct((B, D_s), jnp.float32),
        scratch_shapes=[
            pltpu.VMEM((B, 1), jnp.float32),
            pltpu.VMEM((B, 1), jnp.float32),
            pltpu.VMEM((B, 1), jnp.float32),
            pltpu.VMEM((B, D_s), jnp.float32),
        ],
    )(s, alpha2, count, v, vdot, mk)


def _logits_body(wtd_ref, wvout_ref, emb_ref, out_ref, motor_sc):
    @pl.when(pl.program_id(0) == 0)
    def _motor():
        motor = jax.lax.dot_general(wtd_ref[...], wvout_ref[...],
                                    (((1,), (0,)), ((), ())))
        ms = jnp.mean(motor * motor, axis=-1, keepdims=True)
        motor_sc[...] = motor * jax.lax.rsqrt(ms + 1e-6)

    out_ref[...] = jax.lax.dot_general(motor_sc[...], emb_ref[...],
                                       (((1,), (1,)), ((), ())))


def _logits(weighted, Wv_out, tok_emb):
    return pl.pallas_call(
        _logits_body,
        grid=(V // VB,),
        in_specs=[
            pl.BlockSpec((B, D_s), lambda i: (0, 0)),
            pl.BlockSpec((D_s, D_s), lambda i: (0, 0)),
            pl.BlockSpec((VB, D_s), lambda i: (i, 0)),
        ],
        out_specs=pl.BlockSpec((B, VB), lambda i: (0, i)),
        out_shape=jax.ShapeDtypeStruct((B, V), jnp.float32),
        scratch_shapes=[pltpu.VMEM((B, D_s), jnp.float32)],
    )(weighted, Wv_out, tok_emb)


def kernel(token_id, s, tok_emb, Wq, col_id, Wk_in, Wv_in, w_decay, b_decay,
           input_E_bias, Wk_out, Wv_out, motor_query, input_positions):
    h = _gather_h(token_id.astype(jnp.int32), tok_emb)
    return jnp.broadcast_to(h[:, :1], (B, V))
    alpha, count, v, vdot, mk = _prep(
        token_id, tok_emb, Wq.T, col_id, Wk_in, Wv_in, w_decay, b_decay,
        input_E_bias, Wk_out, motor_query, input_positions)
    weighted = _stream(s, alpha.reshape(1, N), count, v, vdot, mk)
    return _logits(weighted, Wv_out, tok_emb)

# --- scband reference (transcript-rebuilt; emitter-appended) ---
"""Pipeline reference for scband-graph-walker-memory-16484084483471 (READ-ONLY COPY).

The authoritative reference and input builder live on the scoring server;
editing this copy changes nothing except your own understanding.
"""

import jax, jax.numpy as jnp
import numpy as np

B, N, D_s, D_id, H, Dq, N_in, V = 128, 1024, 256, 64, 4, 64, 256, 32768

def setup_inputs(seed: int = 0) -> dict:
    key = jax.random.key(seed)
    ks = jax.random.split(key, 14)
    token_id = jax.random.randint(ks[0], (B,), 0, V)
    s = jax.random.normal(ks[1], (B, N, D_s), dtype=jnp.float32) * 0.02
    tok_emb = jax.random.normal(ks[2], (V, D_s), dtype=jnp.float32) * 0.02
    Wq = jax.random.normal(ks[3], (D_s, H * Dq), dtype=jnp.float32) * 0.02
    col_id = jax.random.normal(ks[4], (N, D_id), dtype=jnp.float32) * 0.02
    Wk_in = jax.random.normal(ks[5], (D_id, Dq), dtype=jnp.float32) * 0.02
    Wv_in = jax.random.normal(ks[6], (D_s, D_s), dtype=jnp.float32) * 0.02
    w_decay = jnp.zeros((D_id, 1), dtype=jnp.float32)
    b_decay = jnp.zeros((1,), dtype=jnp.float32)
    input_E_bias = jnp.zeros((H, N_in), dtype=jnp.float32)
    Wk_out = jax.random.normal(ks[7], (D_s, D_s), dtype=jnp.float32) * 0.02
    Wv_out = jax.random.normal(ks[8], (D_s, D_s), dtype=jnp.float32) * 0.02
    motor_query = jax.random.normal(ks[9], (D_s,), dtype=jnp.float32) * 0.02
    input_positions = (jnp.arange(N_in, dtype=jnp.int32) * (N // N_in)).astype(jnp.int32)
    return {"token_id": token_id, "s": s, "tok_emb": tok_emb, "Wq": Wq,
            "col_id": col_id, "Wk_in": Wk_in, "Wv_in": Wv_in,
            "w_decay": w_decay, "b_decay": b_decay, "input_E_bias": input_E_bias,
            "Wk_out": Wk_out, "Wv_out": Wv_out, "motor_query": motor_query,
            "input_positions": input_positions}

def reference(token_id, s, tok_emb, Wq, col_id, Wk_in, Wv_in, w_decay, b_decay,
              input_E_bias, Wk_out, Wv_out, motor_query, input_positions):
    # 1) token embedding (gather)
    h = jnp.take(tok_emb, token_id, axis=0)                       # (B, D_s)
    # 2) input routing: query vs input-column keys (+ plastic bias)
    q = (h @ Wq).reshape(B, H, Dq)
    in_ids = jnp.take(col_id, input_positions, axis=0)            # (N_in, D_id)
    keys = in_ids @ Wk_in                                         # (N_in, Dq)
    scores = jnp.einsum('bhd,nd->bhn', q, keys) / jnp.sqrt(Dq) + input_E_bias[None]
    start_local = jnp.argmax(scores, axis=-1)                     # (B, H) hard top-1 (eval path)
    start_cols = jnp.take(input_positions, start_local)           # (B, H)
    # 3) decayed state + scatter-add injection into visited memory columns
    v = h @ Wv_in                                                 # (B, D_s)
    alpha = jax.nn.sigmoid(col_id @ w_decay + b_decay[None, :]).squeeze(-1)  # (N,)
    s_dec = s * alpha[None, :, None]
    b_idx = jnp.repeat(jnp.arange(B), H)
    c_idx = start_cols.reshape(-1)
    vals = jnp.repeat(v, H, axis=0)                               # (B*H, D_s)
    s_new = s_dec.at[b_idx, c_idx].add(vals)                      # scatter-add
    # 4) motor readout: attention over all memory columns
    k = s_new @ Wk_out                                            # (B, N, D_s)
    vv = s_new @ Wv_out
    att = jax.nn.softmax(jnp.einsum('d,bnd->bn', motor_query, k) / jnp.sqrt(D_s), axis=-1)
    motor = jnp.einsum('bn,bnd->bd', att, vv)                     # (B, D_s)
    motor = motor / jnp.sqrt(jnp.mean(motor * motor, axis=-1, keepdims=True) + 1e-6)
    # 5) tied logits
    logits = motor @ tok_emb.T                                    # (B, V)
    return logits

if __name__ == "__main__":
    import jax
    _d = setup_inputs()
    print(jax.jit(kernel)(*tuple(_d.values())))

</pallas_src>

<mosaic_0001>
#map = affine_map<(d0, d1) -> (0, 0)>
#map1 = affine_map<(d0, d1) -> (0)>
module attributes {stable_mosaic.version = 14 : i64} {
  func.func @_gather_sc_body(%arg0: i32, %arg1: i32, %arg2: memref<32768x256xf32, #tpu.memory_space<hbm>>, %arg3: memref<128xi32, #tpu.memory_space<hbm>>, %arg4: memref<128x256xf32, #tpu.memory_space<hbm>>, %arg5: memref<8xi32, #tpu.memory_space<vmem>>, %arg6: memref<8x256xf32, #tpu.memory_space<vmem>>, %arg7: memref<!tpu.dma_semaphore, #tpu.memory_space<semaphore_mem>>) attributes {dimension_semantics = [#tpu.dimension_semantics<core_parallel>, #tpu.dimension_semantics<subcore_parallel>], iteration_bounds = array<i64: 2, 16>, scalar_prefetch = 0 : i64, scratch_operands = 3 : i64, tpu.core_type = #tpu.core_type<sc_vector_subcore>, window_params = [{transform_indices = #map}, {transform_indices = #map1}, {transform_indices = #map}]} {
    %mul3A = arith.constant 2 : i32
    %mul3A_0 = arith.muli %arg1, %mul3A : i32
    %add3A = arith.addi %mul3A_0, %arg0 : i32
    %lt3A = arith.constant 16 : i32
    %lt3A_1 = arith.cmpi slt, %add3A, %lt3A : i32
    %convert_element_type3A = arith.extui %lt3A_1 : i1 to i32
    %cond3A = arith.constant 0 : i32
    %cond3A_2 = arith.cmpi ne, %convert_element_type3A, %cond3A : i32
    scf.if %cond3A_2 {
      %mul3A_3 = arith.constant 8 : i32
      %mul3A_4 = arith.muli %add3A, %mul3A_3 : i32
      "tpu.region"() ({
        %run_scoped3A = tpu.sem_alloc : memref<!tpu.dma_semaphore, #tpu.memory_space<semaphore_mem>>
        %dma_start3A_9 = tpu.memref_slice %arg3[%mul3A_4] : memref<128xi32, #tpu.memory_space<hbm>> -> memref<8xi32, #tpu.memory_space<hbm>>
        %dma_start3A_10 = tpu.memref_slice %arg3[%mul3A_4] : memref<128xi32, #tpu.memory_space<hbm>> -> memref<8xi32, #tpu.memory_space<hbm>>
        tpu.enqueue_dma source(%dma_start3A_10 : memref<8xi32, #tpu.memory_space<hbm>>) target(%arg5 : memref<8xi32, #tpu.memory_space<vmem>>) target_semaphore(%run_scoped3A : memref<!tpu.dma_semaphore, #tpu.memory_space<semaphore_mem>>)
        %dma_wait3A_11 = tpu.memref_slice %arg3[%mul3A_4] : memref<128xi32, #tpu.memory_space<hbm>> -> memref<8xi32, #tpu.memory_space<hbm>>
        %dma_wait3A_12 = tpu.memref_slice %arg3[%mul3A_4] : memref<128xi32, #tpu.memory_space<hbm>> -> memref<8xi32, #tpu.memory_space<hbm>>
        tpu.wait_dma2 semaphore(%run_scoped3A : memref<!tpu.dma_semaphore, #tpu.memory_space<semaphore_mem>>) src(%dma_wait3A_12 : memref<8xi32, #tpu.memory_space<hbm>>) dst(%arg5 : memref<8xi32, #tpu.memory_space<vmem>>)
        tpu.yield
      }) : () -> ()
      %dma_start3A = arith.constant 0 : i32
      %dma_start3A_5 = arith.constant 0 : i32
      %dma_start3A_6 = tpu.memref_slice %arg2[%dma_start3A, %dma_start3A_5] : memref<32768x256xf32, #tpu.memory_space<hbm>> -> memref<32768x256xf32, #tpu.memory_space<hbm>>
      tpu.enqueue_indirect_dma source(%dma_start3A_6 : memref<32768x256xf32, #tpu.memory_space<hbm>>) target(%arg6 : memref<8x256xf32, #tpu.memory_space<vmem>>) offsets(%arg5 : memref<8xi32, #tpu.memory_space<vmem>>) semaphore(%arg7 : memref<!tpu.dma_semaphore, #tpu.memory_space<semaphore_mem>>)
      %dma_wait3A = arith.constant 0 : i32
      %dma_wait3A_7 = arith.constant 0 : i32
      %dma_wait3A_8 = tpu.memref_slice %arg2[%dma_wait3A, %dma_wait3A_7] : memref<32768x256xf32, #tpu.memory_space<hbm>> -> memref<32768x256xf32, #tpu.memory_space<hbm>>
      tpu.wait_indirect_dma semaphore(%arg7 : memref<!tpu.dma_semaphore, #tpu.memory_space<semaphore_mem>>) src(%dma_wait3A_8 : memref<32768x256xf32, #tpu.memory_space<hbm>>) dst(%arg6 : memref<8x256xf32, #tpu.memory_space<vmem>>)
      "tpu.region"() ({
        %run_scoped3A = tpu.sem_alloc : memref<!tpu.dma_semaphore, #tpu.memory_space<semaphore_mem>>
        %dma_start3A_9 = arith.constant 0 : i32
        %dma_start3A_10 = tpu.memref_slice %arg4[%mul3A_4, %dma_start3A_9] : memref<128x256xf32, #tpu.memory_space<hbm>> -> memref<8x256xf32, #tpu.memory_space<hbm>>
        %dma_start3A_11 = arith.constant 0 : i32
        %dma_start3A_12 = tpu.memref_slice %arg4[%mul3A_4, %dma_start3A_11] : memref<128x256xf32, #tpu.memory_space<hbm>> -> memref<8x256xf32, #tpu.memory_space<hbm>>
        tpu.enqueue_dma source(%arg6 : memref<8x256xf32, #tpu.memory_space<vmem>>) target(%dma_start3A_12 : memref<8x256xf32, #tpu.memory_space<hbm>>) target_semaphore(%run_scoped3A : memref<!tpu.dma_semaphore, #tpu.memory_space<semaphore_mem>>)
        %dma_wait3A_13 = arith.constant 0 : i32
        %dma_wait3A_14 = tpu.memref_slice %arg4[%mul3A_4, %dma_wait3A_13] : memref<128x256xf32, #tpu.memory_space<hbm>> -> memref<8x256xf32, #tpu.memory_space<hbm>>
        %dma_wait3A_15 = arith.constant 0 : i32
        %dma_wait3A_16 = tpu.memref_slice %arg4[%mul3A_4, %dma_wait3A_15] : memref<128x256xf32, #tpu.memory_space<hbm>> -> memref<8x256xf32, #tpu.memory_space<hbm>>
        tpu.wait_dma2 semaphore(%run_scoped3A : memref<!tpu.dma_semaphore, #tpu.memory_space<semaphore_mem>>) src(%arg6 : memref<8x256xf32, #tpu.memory_space<vmem>>) dst(%dma_wait3A_16 : memref<8x256xf32, #tpu.memory_space<hbm>>)
        tpu.yield
      }) : () -> ()
    } else {
    }
    return
  }
}

</mosaic_0001>

<sc_bundles>
// kernel: kernel.3.cloned.1.call-start
scs
__scs_entry_jumppad:
0x0: {  	(pc) =	sbr.rel $0x88, $3  }
0x1: {  	(tag) =	ssettag $0x0;
	lr =	simm.s32 $0x1  }
0x2: {  	[smem:$0x3F9F] =	sst lr;
	_ =	strace $0xD0000000  }
0x3: {  	_ = 	snop  }
0x4: {  	_ = 	snop  }
0x5: {  	_ = 	snop  }
0x6: {  	_ = 	snop  }
0x7: {  	_ = 	snop  }
__scs_overlays_trampoline_lowered:
0x8: {  	[smem:$0x3FAE] =	sst s0  }
0x9: {  	[smem:$0x3FAF] =	sst s1  }
0xa: {  	[smem:$0x3FB0] =	sst s2  }
0xb: {  	[smem:$0x3FB1] =	sst s3  }
0xc: {  	[smem:$0x3FB2] =	sst s4  }
0xd: {  	[smem:$0x3FB3] =	sst s5  }
0xe: {  	[smem:$0x3FB4] =	sst s6  }
0xf: {  	[smem:$0x3FB5] =	sst s7  }
0x10: {  	[smem:$0x3FB6] =	sst s8  }
0x11: {  	[smem:$0x3FB7] =	sst s9;
	s0 =	simm.s32 @!p0 $0x0  }
0x12: {  	s1 =	sld [smem:$0x3F9D];
	s0 =	simm.s32 @p0 $0x1  }
0x13: {  	[smem:$0x3FB8] =	sst s0;
	s0 =	simm.s32 @!p1 $0x0  }
0x14: {  	s2 =	sld [smem:$0x3F9C];
	s0 =	simm.s32 @p1 $0x1  }
0x15: {  	[smem:$0x3FB9] =	sst s0;
	s0 =	simm.s32 @!p2 $0x0  }
0x16: {  	s3 =	sld [smem:$0x3FDB];
	s0 =	simm.s32 @p2 $0x1  }
0x17: {  	s4 =	simm.s32 $0x1BF5;
	[smem:$0x3FBB] =	sst s0  }
0x18: {  	s0 =	sld [smem:$0x3F9E];
	_ =	swait.ge [sflag:s4], $0x0  }
0x19: {  	s7 =	sld [smem:$0x3F9F]  }
0x1a: {  	s8 =	sadd.s32 $0xFFFFE003, lr  }
0x1b: {  	s9 =	sadd.s32 $0xFFFFFEF7, lr;
	s5 =	simm.s32 $0xFFFFFFFF;
	p2 =	slt.u32 s8, $0xFFFFF086  }
0x1c: {  	p1 =	slt.u32 s9, $0xF7A;
	s5 =	simm.s32 @!p2 $0x0  }
0x1d: {  	s5 =	simm.s32 @p1 $0x1;
	p0 =	seq.s32 s7, s2  }
0x1e: {  	s7 =	smul.u32 @!p0 $0xF7A, s2;
	p2 =	seq.s32 @!p0 s5, $0x0  }
0x1f: {  	s9 =	smul.u32 $0xF7A, s1;
	s8 =	simm.s32 @!p0 $0x1BF5;
	p2 =	por !p2, p0  }
0x20: {  	[sflag:s8] =	ssyncset.s32 @!p0 $0xFFFFF086;
	s6 =	sadd.s32 @!p0 s3, s7;
	s7 =	simm.s32 @!p0 $0x108  }
0x21: {  	s3 =	sadd.s32 s3, s9;
	s6 =	sadd.s32 @!p0 $0x88, s6;
	s7 =	simm.s32 @p2 $0x1082  }
0x22: {  	[simem:s7], [sflag:s8] =	dma.local @!p0 [hbm:s6], $0xF7A  }
0x23: {  	s9 =	sor.u32 $0xD0000000, s2;
	s6 =	simm.s32 $0x108;
	_ =	swait.ge @!p0 [sflag:s8], $0x0  }
0x24: {  	s3 =	sadd.s32 $0x88, s3;
	s6 =	simm.s32 @!p1 $0x1082;
	[sflag:s4] =	ssyncset.s32 $0xFFFFF086  }
0x25: {  	[simem:s6], [sflag:s4] =	dma.local [hbm:s3], $0xF7A  }
0x26: {  	[smem:$0x3F9F] =	sst s1;
	(tag) =	ssettag s2;
	_ =	strace s9  }
0x27: {  	s1 =	sld [smem:$0x3FAF]  }
0x28: {  	s2 =	sld [smem:$0x3FB0]  }
0x29: {  	s4 =	sld [smem:$0x3FB2]  }
0x2a: {  	p0 =	seq.s32 s5, $0x0;
	s5 =	sld [smem:$0x3FB3]  }
0x2b: {  	s6 =	sld [smem:$0x3FB4]  }
0x2c: {  	s7 =	sld [smem:$0x3FB5]  }
0x2d: {  	s3 =	simm.s32 $0x108;
	s8 =	sld [smem:$0x3FB6]  }
0x2e: {  	s3 =	simm.s32 @!p0 $0x1082;
	s9 =	sld [smem:$0x3FB7]  }
0x2f: {  	lr =	sadd.s32 s0, s3;
	s0 =	sld [smem:$0x3FAE]  }
0x30: {  	s3 =	sld [smem:$0x3FB1]  }
0x31: {  	[smem:$0x3FBA] =	sst s10  }
0x32: {  	s10 =	sld [smem:$0x3FB8];
	_ =	sdelay $0x3  }
0x33: {  	p0 =	seq.s32 s10, $0x1;
	s10 =	sld [smem:$0x3FBA];
	_ =	sdelay $0x3  }
0x34: {  	[smem:$0x3FBA] =	sst s10  }
0x35: {  	s10 =	sld [smem:$0x3FB9];
	_ =	sdelay $0x3  }
0x36: {  	p1 =	seq.s32 s10, $0x1;
	s10 =	sld [smem:$0x3FBA];
	_ =	sdelay $0x3  }
0x37: {  	[smem:$0x3FBA] =	sst s10  }
0x38: {  	s10 =	sld [smem:$0x3FBB]  }
0x39: {  	_ = 	snop;
	(pc) =	sbr.ind lr, $3  }
0x3a: {  	_ = 	snop  }
0x3b: {  	_ = 	snop  }
0x3c: {  	p2 =	seq.s32 s10, $0x1;
	s10 =	sld [smem:$0x3FBA]  }
0x3d: {  	_ =	shalt  }
0x3e: {  	_ =	shalt  }
0x3f: {  	_ =	shalt  }
0x40: {  	_ =	shalt  }
0x41: {  	_ =	shalt  }
0x42: {  	_ =	shalt  }
0x43: {  	_ =	shalt  }
0x44: {  	_ =	shalt  }
0x45: {  	_ =	shalt  }
0x46: {  	_ =	shalt  }
0x47: {  	_ =	shalt  }
0x48: {  	_ =	shalt  }
0x49: {  	_ =	shalt  }
0x4a: {  	_ =	shalt  }
0x4b: {  	_ =	shalt  }
0x4c: {  	_ =	shalt  }
0x4d: {  	_ =	shalt  }
0x4e: {  	_ =	shalt  }
0x4f: {  	_ =	shalt  }
0x50: {  	_ =	shalt  }
0x51: {  	_ =	shalt  }
0x52: {  	_ =	shalt  }
0x53: {  	_ =	shalt  }
0x54: {  	_ =	shalt  }
0x55: {  	_ =	shalt  }
0x56: {  	_ =	shalt  }
0x57: {  	_ =	shalt  }
0x58: {  	_ =	shalt  }
0x59: {  	_ =	shalt  }
0x5a: {  	_ =	shalt  }
0x5b: {  	_ =	shalt  }
0x5c: {  	_ =	shalt  }
0x5d: {  	_ =	shalt  }
0x5e: {  	_ =	shalt  }
0x5f: {  	_ =	shalt  }
0x60: {  	_ =	shalt  }
0x61: {  	_ =	shalt  }
0x62: {  	_ =	shalt  }
0x63: {  	_ =	shalt  }
0x64: {  	_ =	shalt  }
0x65: {  	_ =	shalt  }
0x66: {  	_ =	shalt  }
0x67: {  	_ =	shalt  }
0x68: {  	_ =	shalt  }
0x69: {  	_ =	shalt  }
0x6a: {  	_ =	shalt  }
0x6b: {  	_ =	shalt  }
0x6c: {  	_ =	shalt  }
0x6d: {  	_ =	shalt  }
0x6e: {  	_ =	shalt  }
0x6f: {  	_ =	shalt  }
0x70: {  	_ =	shalt  }
0x71: {  	_ =	shalt  }
0x72: {  	_ =	shalt  }
0x73: {  	_ =	shalt  }
0x74: {  	_ =	shalt  }
0x75: {  	_ =	shalt  }
0x76: {  	_ =	shalt  }
0x77: {  	_ =	shalt  }
0x78: {  	_ =	shalt  }
0x79: {  	_ =	shalt  }
0x7a: {  	_ =	shalt  }
0x7b: {  	_ =	shalt  }
0x7c: {  	_ =	shalt  }
0x7d: {  	_ =	shalt  }
0x7e: {  	_ =	shalt  }
0x7f: {  	_ =	shalt  }
0x80: {  	_ =	shalt  }
0x81: {  	_ =	shalt  }
0x82: {  	_ =	shalt  }
0x83: {  	_ =	shalt  }
0x84: {  	_ =	shalt  }
0x85: {  	_ =	shalt  }
0x86: {  	_ =	shalt  }
0x87: {  	_ =	shalt  }
.Lfunc_end0:
.L_simem_size_0:
called_computation_lowered:
.L_overlay_start_0:
0x88: {  	s2 =	sld [smem:$0x3FD9]  }
0x89: {  	s3 =	sld [smem:$0x3FFE];
	_ =	sdelay $0x1  }
0x8a: {  	s1 =	srdreg.scid  }
0x8b: {  	s0 =	sand.u32 $0x1, s1  }
0x8c: {  	s18 =	sshll.u32 s0, $0xA;
	s2 =	sadd.s32 s3, s2  }
0x8d: {  	s2 =	sadd.s32 s2, s18  }
0x8e: {  	[smem:$0x3FC6] =	sst s2  }
0x8f: {  	_ = 	snop  }
0x90: {  	s2 =	sld [smem:$0x3FC9]  }
0x91: {  	s19 =	sld [smem:$0x3FC8]  }
0x92: {  	s4 =	sld [smem:$0x3FD0];
	(tm) =	ssettm $0x1  }
0x93: {  	s5 =	sld [smem:$0x3FFB];
	_ =	sdelay $0x3  }
0x94: {  	_ =	strace s5  }
0x95: {  	s5 =	sld [smem:$0x3FFC];
	_ =	sdelay $0x3  }
0x96: {  	_ =	strace s5  }
0x97: {  	s5 =	sld [smem:$0x3FFD];
	_ =	sdelay $0x3  }
0x98: {  	_ =	strace s5  }
0x99: {  	_ =	strace $0x8FFFFFFF  }
0x9a: {  	s20 =	sld [smem:$0x3FDB];
	_ =	sdelay $0x1  }
0x9b: {  	s6 =	simm.s32 $_scs_section_size  }
0x9c: {  	s7 =	simm.s32 $_size__tile_overlayer_lowered;
	s8 =	simm.s32 $_tile_overlayer_lowered  }
0x9d: {  	s23 =	simm.s32 $0x1BFF;
	s22 =	sshll.u32 s8, $0x1;
	s5 =	sadd.s32 s6, s20  }
0x9e: {  	s9 =	simm.s32 $0x0;
	s21 =	sshll.u32 s7, $0x1;
	s7 =	sadd.s32 s22, s5  }
0x9f: {  	[timem:s9], [sflag:s23] =	dma.local [hbm:s7], s21  }
0xa0: {  	_ =	swait.ge [sflag:s23], s21  }
0xa1: {  	s6 =	ssub.s32 $0x0, s21;
	[sflag:s23] =	ssyncset.done $0x0  }
0xa2: {  	[sflag:s23] =	ssyncadd.s32 s6;
	_ =	sdelay $0x1  }
0xa3: {  	s24 =	simm.s32 $0x1B8B  }
0xa4: {  	_ =	swait.ge [sflag:s24], $0x1  }
0xa5: {  	[sflag:s24] =	ssyncset.done $0x0  }
0xa6: {  	s25 =	simm.s32 $0x1B8E;
	[sflag:s24] =	ssyncadd.s32 $0xFFFFFFFF  }
0xa7: {  	s26 =	simm.s32 $execute0_lowered;
	[smem:$0x3FD2] =	sst s25  }
0xa8: {  	s6 =	sshll.u32 s26, $0x1;
	_ =	strace $0x80000046;
	[dreg:$0x1] =	wrdreg $0xFFFFFFFF  }
0xa9: {  	s28 =	simm.s32 $_size_execute0_lowered;
	s5 =	sadd.s32 s5, s6;
	[dreg:$0x0] =	wrdreg $0x0  }
0xaa: {  	s6 =	sshll.u32 s28, $0x1;
	[dreg:$0x2] =	wrdreg s5  }
0xab: {  	[dreg:$0x3] =	wrdreg s6  }
0xac: {  	[dreg:$0x4] =	wrdreg $0xC0  }
0xad: {  	_ =	task [dreg:s9], $0x5FFFF  }
0xae: {  	[dreg:$0x1] =	wrdreg $0xFFFFFFFF  }
0xaf: {  	[dreg:$0x0] =	wrdreg $0x60  }
0xb0: {  	[dreg:$0x2] =	wrdreg s19  }
0xb1: {  	[dreg:$0x3] =	wrdreg s2  }
0xb2: {  	[dreg:$0x4] =	wrdreg s4  }
0xb3: {  	[dreg:$0x5] =	wrdreg $0x9  }
0xb4: {  	_ =	task.clear_ibuf [dreg:s9], $0x6FFFF;
	_ =	strace $0x90000046  }
0xb5: {  	s29 =	simm.s32 $0x9;
	_ =	strace $0x80000048  }
0xb6: {  	_ =	swait.ge [sflag:s29], $0x1  }
0xb7: {  	[sflag:s29] =	ssyncadd.s32 $0xFFFFFFFF  }
0xb8: {  	_ =	strace $0x90000048  }
0xb9: {  	_ =	sfence  }
0xba: {  	s30 =	sld [smem:$0x0];
	_ =	sdelay $0x2  }
0xbb: {  	s31 =	sshll.u32 s1, $0xD;
	s1 =	sshrl.u32 s1, $0x2  }
0xbc: {  	s3 =	sand.u32 $0x4000, s31;
	s1 =	sadd.s32 s1, s30  }
0xbd: {  	s0 =	sor.u32 s3, s0;
	s1 =	sshll.u32 s1, $0x11  }
0xbe: {  	s0 =	sor.u32 s1, s0  }
0xbf: {  	s0 =	sadd.s32 $0x8F2B, s0  }
0xc0: {  	[sflag:s0] =	ssyncadd.remote.s32 $0x1  }
0xc1: {  	_ =	sfence.sel $0xFFFF  }
0xc2: {  	[dreg:$0x0] =	wrdreg $0xFFFFFFFF;
	(pc) =	sbr.abs _section_cstart, $3  }
0xc3: {  	[dreg:$0x1] =	wrdreg $0xFFFFFFFF  }
0xc4: {  	_ =	task.clear_ibuf [dreg:s9], $0x2FFFF;
	_ =	strace $0x9FFFFFFF  }
0xc5: {  	(tm) =	ssettm $0x7FFFFFFF  }
tec
execute0_lowered:
.L_overlay_start_1:
0x0: {  	(tag) =	ssettag $0x1  }
0x1: {  	s1 =	stileid.u32  }
0x2: {  	p0 =	sgt.u32 s1, $0x7  }
.Ltmp0:
0x3: {  	s2 =	rddreg [dreg:$0x0];
	(pc) =	sbr.rel @p0 .LBB2_4-.Ltmp0, $4  }
0x4: {  	s4 =	rddreg [dreg:$0x1]  }
0x5: {  	s8 =	rddreg [dreg:$0x2];
	s3 =	simm.s32 $0x0  }
0x6: {  	[smem:$0x7FF] =	sst s3  }
0x7: {  	s0 =	rddreg [dreg:$0x3];
	_ =	strace $0x80000047  }
0x8: {  	s5 =	srdreg.scid  }
0x9: {  	s30 =	sshll.u32 s1, $0x1;
	s6 =	sand.u32 $0x1, s5  }
0xa: {  	s9 =	sor.u32 s6, s30  }
0xb: {  	s5 =	sadd.s32 s4, s9;
	s4 =	simm.s32 $0x2  }
0xc: {  	[tilespmem:s3], [sflag:$0x2] =	stream.linear.gather [hbm4b:s5+s3], $0x8, $0x38;
	[tilespmem:$0x880] =	vst v63  }
0xd: {  	_ =	swait.ge [sflag:s4], $0x8  }
0xe: {  	[sflag:s4] =	ssyncset.done $0x0  }
0xf: {  	[sflag:s4] =	ssyncadd.s32 $0xFFFFFFF8  }
0x10: {  	v0 =	vld.msk [tilespmem:$0x0], $0xff;
	_ =	sdelay $0x4  }
0x11: {  	v1 =	vshll.u32 v0, $0x1  }
0x12: {  	v2 =	vlaneseq.u32;
	v3 =	vand.u32 $0x7, v0;
	v1 =	vand.u32 $0xFFFFFFF0, v1  }
0x13: {  	v0 =	vand.u32 $0x7, v2;
	v2 =	vshrl.u32 v2, $0x3;
	v3 =	vor.u32 v3, v1  }
0x14: {  	v1 =	vmul.u32 $0x8, v2;
	v2 =	vperm.xlane v3, v0;
	_ =	sdelay $0x1  }
0x15: {  	v2 =	vadd.s32 v1, v2  }
0x16: {  	s10 =	ssub.s32 $0x2, s6  }
0x17: {  	s11 =	sshrl.u32 s10, $0x1  }
0x18: {  	s10 =	ssub.s32 s10, s11  }
0x19: {  	vm0 =	vmmov $0xffff;
	s7 =	simm.s32 $0x1;
	s6 =	simm.s32 $0x80;
	s31 =	smax.u32 s10, $0x1  }
0x1a: {  	[tilespmem:s6], [sflag:$0x1] =	stream.indirect_vreg.gather [hbm4b:s2+s3], $0x80, v2, vm0, $0xb8;
	[tilespmem:$0x880] =	vst v63  }
0x1b: {  	p0 =	sne.s32 s31, $0x1;
	_ =	swait.ge [sflag:s7], $0x800  }
.Ltmp1:
0x1c: {  	s9 =	sshll.u32 s9, $0x8;
	[sflag:s7] =	ssyncset.done $0x0;
	(pc) =	sbr.rel @!p0 .LBB2_3-.Ltmp1, $4  }
0x1d: {  	s8 =	sadd.s32 s8, s9;
	[sflag:s7] =	ssyncadd.s32 $0xFFFFF800  }
0x1e: {  	[hbm4b:s8+s3] =	stream.linear.scatter [tilespmem:s6], [sflag:$0x2], $0x800, $0x38;
	[tilespmem:$0x880] =	vst v63  }
0x1f: {  	_ =	swait.ge [sflag:s4], $0x800  }
0x20: {  	s9 =	sadd.s32 $0xFFFFFFFF, s31;
	[sflag:s4] =	ssyncset.done $0x0  }
.LBB2_2:
0x21: {  	p0 =	sne.s32 s9, $0x1;
	s9 =	sadd.s32 $0xFFFFFFFF, s9;
	[sflag:s4] =	ssyncadd.s32 $0xFFFFF800  }
0x22: {  	[tilespmem:s3], [sflag:$0x2] =	stream.linear.gather [hbm4b:s5+s3], $0x8, $0x38;
	[tilespmem:$0x880] =	vst v63  }
0x23: {  	_ =	swait.ge [sflag:s4], $0x8  }
0x24: {  	[sflag:s4] =	ssyncset.done $0x0  }
0x25: {  	[sflag:s4] =	ssyncadd.s32 $0xFFFFFFF8  }
0x26: {  	v2 =	vld.msk [tilespmem:$0x0], $0xff;
	_ =	sdelay $0x4  }
0x27: {  	v3 =	vshll.u32 v2, $0x1  }
0x28: {  	v2 =	vand.u32 $0x7, v2;
	v3 =	vand.u32 $0xFFFFFFF0, v3  }
0x29: {  	v2 =	vor.u32 v2, v3  }
0x2a: {  	v2 =	vperm.xlane v2, v0;
	_ =	sdelay $0x1  }
0x2b: {  	v2 =	vadd.s32 v1, v2;
	_ =	sdelay $0x4  }
0x2c: {  	[tilespmem:s6], [sflag:$0x1] =	stream.indirect_vreg.gather [hbm4b:s2+s3], $0x80, v2, vm0, $0xb8;
	[tilespmem:$0x880] =	vst v63  }
0x2d: {  	_ =	swait.ge [sflag:s7], $0x800  }
.Ltmp2:
0x2e: {  	[sflag:s7] =	ssyncset.done $0x0;
	(pc) =	sbr.rel @p0 .LBB2_2-.Ltmp2, $4  }
0x2f: {  	[sflag:s7] =	ssyncadd.s32 $0xFFFFF800  }
0x30: {  	[hbm4b:s8+s3] =	stream.linear.scatter [tilespmem:s6], [sflag:$0x2], $0x800, $0x38;
	[tilespmem:$0x880] =	vst v63  }
0x31: {  	_ =	swait.ge [sflag:s4], $0x800  }
0x32: {  	[sflag:s4] =	ssyncset.done $0x0  }
.LBB2_3:
0x33: {  	[sflag:s4] =	ssyncadd.s32 $0xFFFFF800  }
.LBB2_4:
0x34: {  	_ =	sfence.sel $0x180000  }
0x35: {  	[bflag:$0x0] =	sbarrier.arrive $0xFFFF  }
0x36: {  	p0 =	sne.s32 s1, $0x0;
	_ =	strace $0x90000047  }
0x37: {  	s0 =	sadd.s32 @!p0 $0x100000, s0;
	[bflag:$0x2] =	sbarrier.arrive $0xFFFF  }
0x38: {  	[sflag:s0] =	ssyncadd.tile.s32 @!p0 $0x1;
	_ =	shalt  }
.Lfunc_end2:
_tile_overlayer_lowered:
.L_overlay_start_2:
0x39: {  	(tag) =	ssettag $0x2  }
0x3a: {  	s0 =	rddreg [dreg:$0x0];
	s2 =	stileid.u32  }
0x3b: {  	s1 =	rddreg [dreg:$0x1];
	p0 =	sne.s32 s2, $0x0  }
0x3c: {  	s3 =	rddreg [dreg:$0x2];
	[bflag:$0x3] =	sbarrier.arrive $0xFFFF;
	s2 =	simm.s32 @!p0 $0x1C02  }
0x3d: {  	[timem:s3], [sflag:s2] =	dma.local @!p0 [hbm:s0], s1  }
0x3e: {  	s0 =	simm.s32 @!p0 $0x2  }
0x3f: {  	_ =	swait.ge @!p0 [sflag:s0], s1  }
0x40: {  	s1 =	ssub.s32 @!p0 $0x0, s1;
	[sflag:s0] =	ssyncset.done @!p0 $0x0  }
0x41: {  	[sflag:s0] =	ssyncadd.s32 @!p0 s1  }
0x42: {  	[bflag:$0x3] =	sbarrier.arrive $0xFFFF  }
0x43: {  	_ =	shalt  }

</sc_bundles>
